<compile_context>
chip_gen: v7x
topology: tpu7x:2x2x1
jax: 0.10.2.dev20260603
libtpu: 0.0.44.dev20260713+nightly
codegen_flags: <defaults>
</compile_context>

<pallas_src>
import functools

import jax
import jax.numpy as jnp
from jax import lax
from jax.experimental import pallas as pl
from jax.experimental.pallas import tpu as pltpu
from jax.experimental.pallas import tpu_sc as plsc

_NUM_CORES = 1
_NUM_SUBCORES = 16
_LANES = 16
_NW = _NUM_CORES * _NUM_SUBCORES


def _lut_body(vocab, k_per_row, emb_ref, w_ref, b_ref, lut_ref):
    n_combo = vocab ** k_per_row
    r = lax.broadcasted_iota(jnp.int32, (n_combo, vocab), 0)
    v = lax.broadcasted_iota(jnp.int32, (n_combo, vocab), 1)
    counts = jnp.zeros((n_combo, vocab), jnp.float32)
    for slot in range(k_per_row):
        digit = (r // (vocab ** (k_per_row - 1 - slot))) % vocab
        counts = counts + (digit == v).astype(jnp.float32)
    counts = counts * (1.0 / k_per_row)
    pooled = jnp.dot(counts, emb_ref[...], preferred_element_type=jnp.float32)
    logits = jnp.dot(pooled, w_ref[...], preferred_element_type=jnp.float32)
    logits = logits + b_ref[...]
    m = jnp.max(logits, axis=-1, keepdims=True)
    e = jnp.exp(logits - m)
    lut_ref[...] = e / jnp.sum(e, axis=-1, keepdims=True)


def kernel(inputs, emb_table, W, b):
    batch, k_per_row = inputs.shape
    vocab = emb_table.shape[0]
    out_units = W.shape[1]
    n_combo = vocab ** k_per_row
    n_lut = n_combo * out_units

    lut = pl.pallas_call(
        functools.partial(_lut_body, vocab, k_per_row),
        out_shape=jax.ShapeDtypeStruct((n_combo, out_units), jnp.float32),
    )(emb_table, W, b.reshape(1, out_units)).reshape(n_lut)

    idxT = inputs.astype(jnp.int32).T.reshape(-1)
    rows_per_w = batch // _NW
    iters = rows_per_w // _LANES

    mesh = plsc.VectorSubcoreMesh(
        core_axis_name="c", subcore_axis_name="s",
        num_cores=_NUM_CORES, num_subcores=_NUM_SUBCORES)

    @functools.partial(
        pl.kernel,
        out_type=jax.ShapeDtypeStruct((out_units * batch,), jnp.float32),
        mesh=mesh,
        compiler_params=pltpu.CompilerParams(needs_layout_passes=False),
        scratch_types=[
            pltpu.VMEM((k_per_row * rows_per_w,), jnp.int32),
            pltpu.VMEM((n_lut,), jnp.float32),
            pltpu.VMEM((out_units * rows_per_w,), jnp.float32),
            pltpu.SemaphoreType.DMA,
        ],
    )
    def sc_lookup(idxT_hbm, lut_hbm, outT_hbm, idx_v, lut_v, out_v, sem):
        wid = lax.axis_index("s") * _NUM_CORES + lax.axis_index("c")
        row0 = wid * rows_per_w
        in_cps = [
            pltpu.async_copy(
                idxT_hbm.at[pl.ds(s * batch + row0, rows_per_w)],
                idx_v.at[pl.ds(s * rows_per_w, rows_per_w)], sem)
            for s in range(k_per_row)]
        pltpu.sync_copy(lut_hbm, lut_v)
        for cp in in_cps:
            cp.wait()

        @plsc.parallel_loop(0, iters, unroll=8)
        def body(j):
            r0 = j * _LANES
            i0 = idx_v[pl.ds(r0, _LANES)]
            i1 = idx_v[pl.ds(rows_per_w + r0, _LANES)]
            i2 = idx_v[pl.ds(2 * rows_per_w + r0, _LANES)]
            c3 = (i0 * (vocab * vocab) + i1 * vocab + i2) * out_units
            for k in range(out_units):
                out_v[pl.ds(k * rows_per_w + r0, _LANES)] = (
                    plsc.load_gather(lut_v, [c3 + k]))

        for k in range(out_units):
            pltpu.sync_copy(
                out_v.at[pl.ds(k * rows_per_w, rows_per_w)],
                outT_hbm.at[pl.ds(k * batch + row0, rows_per_w)])

    out_flat = sc_lookup(idxT, lut)
    return out_flat.reshape(out_units, batch).T

# --- scband reference (transcript-rebuilt; emitter-appended) ---
"""Pipeline reference for scband-my-model-87454124082108 (READ-ONLY COPY).

The authoritative reference and input builder live on the scoring server;
editing this copy changes nothing except your own understanding.
"""

import jax, jax.numpy as jnp
import numpy as np

VOCAB = 4
EMBED_DIM = 20
OUT_UNITS = 3
BATCH = 16384

def setup_inputs(seed: int = 0) -> dict:
    key = jax.random.key(seed)
    k_idx, k_emb, k_w, k_b = jax.random.split(key, 4)
    inputs = jax.random.randint(k_idx, (BATCH, 3), 0, VOCAB, dtype=jnp.int64)
    emb_table = jax.random.normal(k_emb, (VOCAB, EMBED_DIM), dtype=jnp.float32) * 0.05
    W = jax.random.normal(k_w, (EMBED_DIM, OUT_UNITS), dtype=jnp.float32) * 0.1
    b = jnp.zeros((OUT_UNITS,), dtype=jnp.float32)
    return {"inputs": inputs, "emb_table": emb_table, "W": W, "b": b}

def reference(inputs, emb_table, W, b):
    # Embedding lookup: gather rows of the table
    embedded = jnp.take(emb_table, inputs, axis=0)      # (B, 3, 20)
    pooled = jnp.mean(embedded, axis=1)                  # (B, 20)
    logits = pooled @ W + b                              # (B, 3)
    output = jax.nn.softmax(logits, axis=-1)             # softmax dense activation
    return output

if __name__ == "__main__":
    import jax
    _d = setup_inputs()
    print(jax.jit(kernel)(*tuple(_d.values())))

</pallas_src>

<mosaic_0001>
#map = affine_map<(d0, d1) -> (0)>
module attributes {stable_mosaic.version = 14 : i64} {
  func.func @sc_lookup(%arg0: i32, %arg1: i32, %arg2: memref<49152xi32, #tpu.memory_space<hbm>>, %arg3: memref<192xf32, #tpu.memory_space<hbm>>, %arg4: memref<49152xf32, #tpu.memory_space<hbm>>, %arg5: memref<3072xi32, #tpu.memory_space<vmem>>, %arg6: memref<192xf32, #tpu.memory_space<vmem>>, %arg7: memref<3072xf32, #tpu.memory_space<vmem>>, %arg8: memref<!tpu.dma_semaphore, #tpu.memory_space<semaphore_mem>>) attributes {dimension_semantics = [#tpu.dimension_semantics<core_parallel>, #tpu.dimension_semantics<subcore_parallel>], iteration_bounds = array<i64: 1, 16>, scalar_prefetch = 0 : i64, scratch_operands = 4 : i64, tpu.core_type = #tpu.core_type<sc_vector_subcore>, window_params = [{transform_indices = #map}, {transform_indices = #map}, {transform_indices = #map}]} {
    %mul3A = arith.constant 1 : i32
    %mul3A_0 = arith.muli %arg1, %mul3A : i32
    %add3A = arith.addi %mul3A_0, %arg0 : i32
    %mul3A_1 = arith.constant 1024 : i32
    %mul3A_2 = arith.muli %add3A, %mul3A_1 : i32
    %add3A_3 = arith.constant 0 : i32
    %add3A_4 = arith.addi %add3A_3, %mul3A_2 : i32
    %dma_start3A = arith.constant 0 : i32
    %dma_start3A_5 = tpu.memref_slice %arg5[%dma_start3A] : memref<3072xi32, #tpu.memory_space<vmem>> -> memref<1024xi32, #tpu.memory_space<vmem>>
    %dma_start3A_6 = tpu.memref_slice %arg2[%add3A_4] : memref<49152xi32, #tpu.memory_space<hbm>> -> memref<1024xi32, #tpu.memory_space<hbm>>
    %dma_start3A_7 = arith.constant 0 : i32
    %dma_start3A_8 = tpu.memref_slice %arg5[%dma_start3A_7] : memref<3072xi32, #tpu.memory_space<vmem>> -> memref<1024xi32, #tpu.memory_space<vmem>>
    %dma_start3A_9 = tpu.memref_slice %arg2[%add3A_4] : memref<49152xi32, #tpu.memory_space<hbm>> -> memref<1024xi32, #tpu.memory_space<hbm>>
    tpu.enqueue_dma source(%dma_start3A_9 : memref<1024xi32, #tpu.memory_space<hbm>>) target(%dma_start3A_8 : memref<1024xi32, #tpu.memory_space<vmem>>) target_semaphore(%arg8 : memref<!tpu.dma_semaphore, #tpu.memory_space<semaphore_mem>>)
    %add3A_10 = arith.constant 16384 : i32
    %add3A_11 = arith.addi %add3A_10, %mul3A_2 : i32
    %dma_start3A_12 = arith.constant 1024 : i32
    %dma_start3A_13 = tpu.memref_slice %arg5[%dma_start3A_12] : memref<3072xi32, #tpu.memory_space<vmem>> -> memref<1024xi32, #tpu.memory_space<vmem>>
    %dma_start3A_14 = tpu.memref_slice %arg2[%add3A_11] : memref<49152xi32, #tpu.memory_space<hbm>> -> memref<1024xi32, #tpu.memory_space<hbm>>
    %dma_start3A_15 = arith.constant 1024 : i32
    %dma_start3A_16 = tpu.memref_slice %arg5[%dma_start3A_15] : memref<3072xi32, #tpu.memory_space<vmem>> -> memref<1024xi32, #tpu.memory_space<vmem>>
    %dma_start3A_17 = tpu.memref_slice %arg2[%add3A_11] : memref<49152xi32, #tpu.memory_space<hbm>> -> memref<1024xi32, #tpu.memory_space<hbm>>
    tpu.enqueue_dma source(%dma_start3A_17 : memref<1024xi32, #tpu.memory_space<hbm>>) target(%dma_start3A_16 : memref<1024xi32, #tpu.memory_space<vmem>>) target_semaphore(%arg8 : memref<!tpu.dma_semaphore, #tpu.memory_space<semaphore_mem>>)
    %add3A_18 = arith.constant 32768 : i32
    %add3A_19 = arith.addi %add3A_18, %mul3A_2 : i32
    %dma_start3A_20 = arith.constant 2048 : i32
    %dma_start3A_21 = tpu.memref_slice %arg5[%dma_start3A_20] : memref<3072xi32, #tpu.memory_space<vmem>> -> memref<1024xi32, #tpu.memory_space<vmem>>
    %dma_start3A_22 = tpu.memref_slice %arg2[%add3A_19] : memref<49152xi32, #tpu.memory_space<hbm>> -> memref<1024xi32, #tpu.memory_space<hbm>>
    %dma_start3A_23 = arith.constant 2048 : i32
    %dma_start3A_24 = tpu.memref_slice %arg5[%dma_start3A_23] : memref<3072xi32, #tpu.memory_space<vmem>> -> memref<1024xi32, #tpu.memory_space<vmem>>
    %dma_start3A_25 = tpu.memref_slice %arg2[%add3A_19] : memref<49152xi32, #tpu.memory_space<hbm>> -> memref<1024xi32, #tpu.memory_space<hbm>>
    tpu.enqueue_dma source(%dma_start3A_25 : memref<1024xi32, #tpu.memory_space<hbm>>) target(%dma_start3A_24 : memref<1024xi32, #tpu.memory_space<vmem>>) target_semaphore(%arg8 : memref<!tpu.dma_semaphore, #tpu.memory_space<semaphore_mem>>)
    "tpu.region"() ({
      %run_scoped3A = tpu.sem_alloc : memref<!tpu.dma_semaphore, #tpu.memory_space<semaphore_mem>>
      tpu.enqueue_dma source(%arg3 : memref<192xf32, #tpu.memory_space<hbm>>) target(%arg6 : memref<192xf32, #tpu.memory_space<vmem>>) target_semaphore(%run_scoped3A : memref<!tpu.dma_semaphore, #tpu.memory_space<semaphore_mem>>)
      tpu.wait_dma2 semaphore(%run_scoped3A : memref<!tpu.dma_semaphore, #tpu.memory_space<semaphore_mem>>) src(%arg3 : memref<192xf32, #tpu.memory_space<hbm>>) dst(%arg6 : memref<192xf32, #tpu.memory_space<vmem>>)
      tpu.yield
    }) : () -> ()
    %dma_wait3A = arith.constant 0 : i32
    %dma_wait3A_26 = tpu.memref_slice %arg5[%dma_wait3A] : memref<3072xi32, #tpu.memory_space<vmem>> -> memref<1024xi32, #tpu.memory_space<vmem>>
    %dma_wait3A_27 = tpu.memref_slice %arg2[%add3A_4] : memref<49152xi32, #tpu.memory_space<hbm>> -> memref<1024xi32, #tpu.memory_space<hbm>>
    %dma_wait3A_28 = arith.constant 0 : i32
    %dma_wait3A_29 = tpu.memref_slice %arg5[%dma_wait3A_28] : memref<3072xi32, #tpu.memory_space<vmem>> -> memref<1024xi32, #tpu.memory_space<vmem>>
    %dma_wait3A_30 = tpu.memref_slice %arg2[%add3A_4] : memref<49152xi32, #tpu.memory_space<hbm>> -> memref<1024xi32, #tpu.memory_space<hbm>>
    tpu.wait_dma2 semaphore(%arg8 : memref<!tpu.dma_semaphore, #tpu.memory_space<semaphore_mem>>) src(%dma_wait3A_30 : memref<1024xi32, #tpu.memory_space<hbm>>) dst(%dma_wait3A_29 : memref<1024xi32, #tpu.memory_space<vmem>>)
    %dma_wait3A_31 = arith.constant 1024 : i32
    %dma_wait3A_32 = tpu.memref_slice %arg5[%dma_wait3A_31] : memref<3072xi32, #tpu.memory_space<vmem>> -> memref<1024xi32, #tpu.memory_space<vmem>>
    %dma_wait3A_33 = tpu.memref_slice %arg2[%add3A_11] : memref<49152xi32, #tpu.memory_space<hbm>> -> memref<1024xi32, #tpu.memory_space<hbm>>
    %dma_wait3A_34 = arith.constant 1024 : i32
    %dma_wait3A_35 = tpu.memref_slice %arg5[%dma_wait3A_34] : memref<3072xi32, #tpu.memory_space<vmem>> -> memref<1024xi32, #tpu.memory_space<vmem>>
    %dma_wait3A_36 = tpu.memref_slice %arg2[%add3A_11] : memref<49152xi32, #tpu.memory_space<hbm>> -> memref<1024xi32, #tpu.memory_space<hbm>>
    tpu.wait_dma2 semaphore(%arg8 : memref<!tpu.dma_semaphore, #tpu.memory_space<semaphore_mem>>) src(%dma_wait3A_36 : memref<1024xi32, #tpu.memory_space<hbm>>) dst(%dma_wait3A_35 : memref<1024xi32, #tpu.memory_space<vmem>>)
    %dma_wait3A_37 = arith.constant 2048 : i32
    %dma_wait3A_38 = tpu.memref_slice %arg5[%dma_wait3A_37] : memref<3072xi32, #tpu.memory_space<vmem>> -> memref<1024xi32, #tpu.memory_space<vmem>>
    %dma_wait3A_39 = tpu.memref_slice %arg2[%add3A_19] : memref<49152xi32, #tpu.memory_space<hbm>> -> memref<1024xi32, #tpu.memory_space<hbm>>
    %dma_wait3A_40 = arith.constant 2048 : i32
    %dma_wait3A_41 = tpu.memref_slice %arg5[%dma_wait3A_40] : memref<3072xi32, #tpu.memory_space<vmem>> -> memref<1024xi32, #tpu.memory_space<vmem>>
    %dma_wait3A_42 = tpu.memref_slice %arg2[%add3A_19] : memref<49152xi32, #tpu.memory_space<hbm>> -> memref<1024xi32, #tpu.memory_space<hbm>>
    tpu.wait_dma2 semaphore(%arg8 : memref<!tpu.dma_semaphore, #tpu.memory_space<semaphore_mem>>) src(%dma_wait3A_42 : memref<1024xi32, #tpu.memory_space<hbm>>) dst(%dma_wait3A_41 : memref<1024xi32, #tpu.memory_space<vmem>>)
    %parallel_loop3A = arith.constant 0 : i32
    %parallel_loop3A_43 = arith.constant 64 : i32
    %parallel_loop3A_44 = arith.constant 1 : i32
    scf.for %parallel_loop3A_51 = %parallel_loop3A to %parallel_loop3A_43 step %parallel_loop3A_44  : i32 {
      %parallel_loop3A_52 = arith.constant 16 : i32
      %parallel_loop3A_53 = arith.muli %parallel_loop3A_51, %parallel_loop3A_52 : i32
      %parallel_loop3A_54 = arith.index_cast %parallel_loop3A_53 : i32 to index
      %parallel_loop3A_55 = tpu.vector_load %arg5[%parallel_loop3A_54] {strides = array<i32>} : memref<3072xi32, #tpu.memory_space<vmem>>, vector<16xi32>,
      %parallel_loop3A_56 = arith.constant 1024 : i32
      %parallel_loop3A_57 = arith.addi %parallel_loop3A_56, %parallel_loop3A_53 : i32
      %parallel_loop3A_58 = arith.index_cast %parallel_loop3A_57 : i32 to index
      %parallel_loop3A_59 = tpu.vector_load %arg5[%parallel_loop3A_58] {strides = array<i32>} : memref<3072xi32, #tpu.memory_space<vmem>>, vector<16xi32>,
      %parallel_loop3A_60 = arith.constant 2048 : i32
      %parallel_loop3A_61 = arith.addi %parallel_loop3A_60, %parallel_loop3A_53 : i32
      %parallel_loop3A_62 = arith.index_cast %parallel_loop3A_61 : i32 to index
      %parallel_loop3A_63 = tpu.vector_load %arg5[%parallel_loop3A_62] {strides = array<i32>} : memref<3072xi32, #tpu.memory_space<vmem>>, vector<16xi32>,
      %parallel_loop3A_64 = arith.constant 16 : i32
      %parallel_loop3A_65 = vector.broadcast %parallel_loop3A_64 : i32 to vector<16xi32>
      %parallel_loop3A_66 = arith.muli %parallel_loop3A_55, %parallel_loop3A_65 : vector<16xi32>
      %parallel_loop3A_67 = arith.constant 4 : i32
      %parallel_loop3A_68 = vector.broadcast %parallel_loop3A_67 : i32 to vector<16xi32>
      %parallel_loop3A_69 = arith.muli %parallel_loop3A_59, %parallel_loop3A_68 : vector<16xi32>
      %parallel_loop3A_70 = arith.addi %parallel_loop3A_66, %parallel_loop3A_69 : vector<16xi32>
      %parallel_loop3A_71 = arith.addi %parallel_loop3A_70, %parallel_loop3A_63 : vector<16xi32>
      %parallel_loop3A_72 = arith.constant 3 : i32
      %parallel_loop3A_73 = vector.broadcast %parallel_loop3A_72 : i32 to vector<16xi32>
      %parallel_loop3A_74 = arith.muli %parallel_loop3A_71, %parallel_loop3A_73 : vector<16xi32>
      %parallel_loop3A_75 = arith.constant 0 : i32
      %parallel_loop3A_76 = vector.broadcast %parallel_loop3A_75 : i32 to vector<16xi32>
      %parallel_loop3A_77 = arith.addi %parallel_loop3A_74, %parallel_loop3A_76 : vector<16xi32>
      %parallel_loop3A_78 = tpu.vector_load_idx %arg6[%parallel_loop3A_77] : memref<192xf32, #tpu.memory_space<vmem>>[vector<16xi32>], vector<16xf32>,
      %parallel_loop3A_79 = arith.constant 0 : i32
      %parallel_loop3A_80 = arith.addi %parallel_loop3A_79, %parallel_loop3A_53 : i32
      %parallel_loop3A_81 = arith.index_cast %parallel_loop3A_80 : i32 to index
      %parallel_loop3A_82 = tpu.vector_load %arg7[%parallel_loop3A_81] {strides = array<i32>} : memref<3072xf32, #tpu.memory_space<vmem>>, vector<16xf32>,
      tpu.vector_store %arg7[%parallel_loop3A_81], %parallel_loop3A_78 {strides = array<i32>} : memref<3072xf32, #tpu.memory_space<vmem>>, vector<16xf32>,
      %parallel_loop3A_83 = arith.constant 1 : i32
      %parallel_loop3A_84 = vector.broadcast %parallel_loop3A_83 : i32 to vector<16xi32>
      %parallel_loop3A_85 = arith.addi %parallel_loop3A_74, %parallel_loop3A_84 : vector<16xi32>
      %parallel_loop3A_86 = tpu.vector_load_idx %arg6[%parallel_loop3A_85] : memref<192xf32, #tpu.memory_space<vmem>>[vector<16xi32>], vector<16xf32>,
      %parallel_loop3A_87 = arith.constant 1024 : i32
      %parallel_loop3A_88 = arith.addi %parallel_loop3A_87, %parallel_loop3A_53 : i32
      %parallel_loop3A_89 = arith.index_cast %parallel_loop3A_88 : i32 to index
      %parallel_loop3A_90 = tpu.vector_load %arg7[%parallel_loop3A_89] {strides = array<i32>} : memref<3072xf32, #tpu.memory_space<vmem>>, vector<16xf32>,
      tpu.vector_store %arg7[%parallel_loop3A_89], %parallel_loop3A_86 {strides = array<i32>} : memref<3072xf32, #tpu.memory_space<vmem>>, vector<16xf32>,
      %parallel_loop3A_91 = arith.constant 2 : i32
      %parallel_loop3A_92 = vector.broadcast %parallel_loop3A_91 : i32 to vector<16xi32>
      %parallel_loop3A_93 = arith.addi %parallel_loop3A_74, %parallel_loop3A_92 : vector<16xi32>
      %parallel_loop3A_94 = tpu.vector_load_idx %arg6[%parallel_loop3A_93] : memref<192xf32, #tpu.memory_space<vmem>>[vector<16xi32>], vector<16xf32>,
      %parallel_loop3A_95 = arith.constant 2048 : i32
      %parallel_loop3A_96 = arith.addi %parallel_loop3A_95, %parallel_loop3A_53 : i32
      %parallel_loop3A_97 = arith.index_cast %parallel_loop3A_96 : i32 to index
      %parallel_loop3A_98 = tpu.vector_load %arg7[%parallel_loop3A_97] {strides = array<i32>} : memref<3072xf32, #tpu.memory_space<vmem>>, vector<16xf32>,
      tpu.vector_store %arg7[%parallel_loop3A_97], %parallel_loop3A_94 {strides = array<i32>} : memref<3072xf32, #tpu.memory_space<vmem>>, vector<16xf32>,
    } {sc.loop_unroll_factor = 8 : i64, sc.parallel_access}
    %add3A_45 = arith.constant 0 : i32
    %add3A_46 = arith.addi %add3A_45, %mul3A_2 : i32
    "tpu.region"() ({
      %run_scoped3A = tpu.sem_alloc : memref<!tpu.dma_semaphore, #tpu.memory_space<semaphore_mem>>
      %dma_start3A_51 = arith.constant 0 : i32
      %dma_start3A_52 = tpu.memref_slice %arg7[%dma_start3A_51] : memref<3072xf32, #tpu.memory_space<vmem>> -> memref<1024xf32, #tpu.memory_space<vmem>>
      %dma_start3A_53 = tpu.memref_slice %arg4[%add3A_46] : memref<49152xf32, #tpu.memory_space<hbm>> -> memref<1024xf32, #tpu.memory_space<hbm>>
      %dma_start3A_54 = tpu.memref_slice %arg4[%add3A_46] : memref<49152xf32, #tpu.memory_space<hbm>> -> memref<1024xf32, #tpu.memory_space<hbm>>
      %dma_start3A_55 = arith.constant 0 : i32
      %dma_start3A_56 = tpu.memref_slice %arg7[%dma_start3A_55] : memref<3072xf32, #tpu.memory_space<vmem>> -> memref<1024xf32, #tpu.memory_space<vmem>>
      tpu.enqueue_dma source(%dma_start3A_56 : memref<1024xf32, #tpu.memory_space<vmem>>) target(%dma_start3A_54 : memref<1024xf32, #tpu.memory_space<hbm>>) target_semaphore(%run_scoped3A : memref<!tpu.dma_semaphore, #tpu.memory_space<semaphore_mem>>)
      %dma_wait3A_57 = arith.constant 0 : i32
      %dma_wait3A_58 = tpu.memref_slice %arg7[%dma_wait3A_57] : memref<3072xf32, #tpu.memory_space<vmem>> -> memref<1024xf32, #tpu.memory_space<vmem>>
      %dma_wait3A_59 = tpu.memref_slice %arg4[%add3A_46] : memref<49152xf32, #tpu.memory_space<hbm>> -> memref<1024xf32, #tpu.memory_space<hbm>>
      %dma_wait3A_60 = tpu.memref_slice %arg4[%add3A_46] : memref<49152xf32, #tpu.memory_space<hbm>> -> memref<1024xf32, #tpu.memory_space<hbm>>
      %dma_wait3A_61 = arith.constant 0 : i32
      %dma_wait3A_62 = tpu.memref_slice %arg7[%dma_wait3A_61] : memref<3072xf32, #tpu.memory_space<vmem>> -> memref<1024xf32, #tpu.memory_space<vmem>>
      tpu.wait_dma2 semaphore(%run_scoped3A : memref<!tpu.dma_semaphore, #tpu.memory_space<semaphore_mem>>) src(%dma_wait3A_62 : memref<1024xf32, #tpu.memory_space<vmem>>) dst(%dma_wait3A_60 : memref<1024xf32, #tpu.memory_space<hbm>>)
      tpu.yield
    }) : () -> ()
    %add3A_47 = arith.constant 16384 : i32
    %add3A_48 = arith.addi %add3A_47, %mul3A_2 : i32
    "tpu.region"() ({
      %run_scoped3A = tpu.sem_alloc : memref<!tpu.dma_semaphore, #tpu.memory_space<semaphore_mem>>
      %dma_start3A_51 = arith.constant 1024 : i32
      %dma_start3A_52 = tpu.memref_slice %arg7[%dma_start3A_51] : memref<3072xf32, #tpu.memory_space<vmem>> -> memref<1024xf32, #tpu.memory_space<vmem>>
      %dma_start3A_53 = tpu.memref_slice %arg4[%add3A_48] : memref<49152xf32, #tpu.memory_space<hbm>> -> memref<1024xf32, #tpu.memory_space<hbm>>
      %dma_start3A_54 = tpu.memref_slice %arg4[%add3A_48] : memref<49152xf32, #tpu.memory_space<hbm>> -> memref<1024xf32, #tpu.memory_space<hbm>>
      %dma_start3A_55 = arith.constant 1024 : i32
      %dma_start3A_56 = tpu.memref_slice %arg7[%dma_start3A_55] : memref<3072xf32, #tpu.memory_space<vmem>> -> memref<1024xf32, #tpu.memory_space<vmem>>
      tpu.enqueue_dma source(%dma_start3A_56 : memref<1024xf32, #tpu.memory_space<vmem>>) target(%dma_start3A_54 : memref<1024xf32, #tpu.memory_space<hbm>>) target_semaphore(%run_scoped3A : memref<!tpu.dma_semaphore, #tpu.memory_space<semaphore_mem>>)
      %dma_wait3A_57 = arith.constant 1024 : i32
      %dma_wait3A_58 = tpu.memref_slice %arg7[%dma_wait3A_57] : memref<3072xf32, #tpu.memory_space<vmem>> -> memref<1024xf32, #tpu.memory_space<vmem>>
      %dma_wait3A_59 = tpu.memref_slice %arg4[%add3A_48] : memref<49152xf32, #tpu.memory_space<hbm>> -> memref<1024xf32, #tpu.memory_space<hbm>>
      %dma_wait3A_60 = tpu.memref_slice %arg4[%add3A_48] : memref<49152xf32, #tpu.memory_space<hbm>> -> memref<1024xf32, #tpu.memory_space<hbm>>
      %dma_wait3A_61 = arith.constant 1024 : i32
      %dma_wait3A_62 = tpu.memref_slice %arg7[%dma_wait3A_61] : memref<3072xf32, #tpu.memory_space<vmem>> -> memref<1024xf32, #tpu.memory_space<vmem>>
      tpu.wait_dma2 semaphore(%run_scoped3A : memref<!tpu.dma_semaphore, #tpu.memory_space<semaphore_mem>>) src(%dma_wait3A_62 : memref<1024xf32, #tpu.memory_space<vmem>>) dst(%dma_wait3A_60 : memref<1024xf32, #tpu.memory_space<hbm>>)
      tpu.yield
    }) : () -> ()
    %add3A_49 = arith.constant 32768 : i32
    %add3A_50 = arith.addi %add3A_49, %mul3A_2 : i32
    "tpu.region"() ({
      %run_scoped3A = tpu.sem_alloc : memref<!tpu.dma_semaphore, #tpu.memory_space<semaphore_mem>>
      %dma_start3A_51 = arith.constant 2048 : i32
      %dma_start3A_52 = tpu.memref_slice %arg7[%dma_start3A_51] : memref<3072xf32, #tpu.memory_space<vmem>> -> memref<1024xf32, #tpu.memory_space<vmem>>
      %dma_start3A_53 = tpu.memref_slice %arg4[%add3A_50] : memref<49152xf32, #tpu.memory_space<hbm>> -> memref<1024xf32, #tpu.memory_space<hbm>>
      %dma_start3A_54 = tpu.memref_slice %arg4[%add3A_50] : memref<49152xf32, #tpu.memory_space<hbm>> -> memref<1024xf32, #tpu.memory_space<hbm>>
      %dma_start3A_55 = arith.constant 2048 : i32
      %dma_start3A_56 = tpu.memref_slice %arg7[%dma_start3A_55] : memref<3072xf32, #tpu.memory_space<vmem>> -> memref<1024xf32, #tpu.memory_space<vmem>>
      tpu.enqueue_dma source(%dma_start3A_56 : memref<1024xf32, #tpu.memory_space<vmem>>) target(%dma_start3A_54 : memref<1024xf32, #tpu.memory_space<hbm>>) target_semaphore(%run_scoped3A : memref<!tpu.dma_semaphore, #tpu.memory_space<semaphore_mem>>)
      %dma_wait3A_57 = arith.constant 2048 : i32
      %dma_wait3A_58 = tpu.memref_slice %arg7[%dma_wait3A_57] : memref<3072xf32, #tpu.memory_space<vmem>> -> memref<1024xf32, #tpu.memory_space<vmem>>
      %dma_wait3A_59 = tpu.memref_slice %arg4[%add3A_50] : memref<49152xf32, #tpu.memory_space<hbm>> -> memref<1024xf32, #tpu.memory_space<hbm>>
      %dma_wait3A_60 = tpu.memref_slice %arg4[%add3A_50] : memref<49152xf32, #tpu.memory_space<hbm>> -> memref<1024xf32, #tpu.memory_space<hbm>>
      %dma_wait3A_61 = arith.constant 2048 : i32
      %dma_wait3A_62 = tpu.memref_slice %arg7[%dma_wait3A_61] : memref<3072xf32, #tpu.memory_space<vmem>> -> memref<1024xf32, #tpu.memory_space<vmem>>
      tpu.wait_dma2 semaphore(%run_scoped3A : memref<!tpu.dma_semaphore, #tpu.memory_space<semaphore_mem>>) src(%dma_wait3A_62 : memref<1024xf32, #tpu.memory_space<vmem>>) dst(%dma_wait3A_60 : memref<1024xf32, #tpu.memory_space<hbm>>)
      tpu.yield
    }) : () -> ()
    return
  }
}

module attributes {stable_mosaic.version = 14 : i64} {
  func.func @_lut_body(%arg0: memref<4x20xf32, #tpu.memory_space<vmem>>, %arg1: memref<20x3xf32, #tpu.memory_space<vmem>>, %arg2: memref<1x3xf32, #tpu.memory_space<vmem>>, %arg3: memref<64x3xf32, #tpu.memory_space<vmem>>) attributes {dimension_semantics = [], scalar_prefetch = 0 : i64, scratch_operands = 0 : i64, tpu.core_type = #tpu.core_type<tc>} {
    %iota3A = tpu.iota {dimensions = array<i32: 0>} : vector<64x4xi32>
    %iota3A_0 = tpu.iota {dimensions = array<i32: 1>} : vector<64x4xi32>
    %broadcast_in_dim3A = arith.constant 0.000000e+00 : f32
    %broadcast_in_dim3A_1 = vector.broadcast %broadcast_in_dim3A : f32 to vector<64x4xf32>
    %jit3A = arith.constant 16 : i32
    %div3A = vector.broadcast %jit3A : i32 to vector<64x4xi32>
    %div3A_2 = arith.divsi %iota3A, %div3A : vector<64x4xi32>
    %sign3A = arith.constant 0 : i32
    %sign3A_3 = vector.broadcast %sign3A : i32 to vector<64x4xi32>
    %sign3A_4 = arith.cmpi sgt, %iota3A, %sign3A_3 : vector<64x4xi32>
    %sign3A_5 = arith.extui %sign3A_4 : vector<64x4xi1> to vector<64x4xi32>
    %sign3A_6 = arith.constant 0 : i32
    %sign3A_7 = vector.broadcast %sign3A_6 : i32 to vector<64x4xi32>
    %sign3A_8 = arith.cmpi slt, %iota3A, %sign3A_7 : vector<64x4xi32>
    %sign3A_9 = arith.extui %sign3A_8 : vector<64x4xi1> to vector<64x4xi32>
    %sign3A_10 = arith.subi %sign3A_5, %sign3A_9 : vector<64x4xi32>
    %sign3A_11 = arith.constant 0 : i32
    %sign3A_12 = arith.cmpi sgt, %jit3A, %sign3A_11 : i32
    %sign3A_13 = arith.extui %sign3A_12 : i1 to i32
    %sign3A_14 = arith.constant 0 : i32
    %sign3A_15 = arith.cmpi slt, %jit3A, %sign3A_14 : i32
    %sign3A_16 = arith.extui %sign3A_15 : i1 to i32
    %sign3A_17 = arith.subi %sign3A_13, %sign3A_16 : i32
    %ne3A = vector.broadcast %sign3A_17 : i32 to vector<64x4xi32>
    %ne3A_18 = arith.cmpi ne, %sign3A_10, %ne3A : vector<64x4xi32>
    %rem3A = vector.broadcast %jit3A : i32 to vector<64x4xi32>
    %rem3A_19 = arith.remsi %iota3A, %rem3A : vector<64x4xi32>
    %ne3A_20 = arith.constant 0 : i32
    %ne3A_21 = vector.broadcast %ne3A_20 : i32 to vector<64x4xi32>
    %ne3A_22 = arith.cmpi ne, %rem3A_19, %ne3A_21 : vector<64x4xi32>
    %and3A = arith.andi %ne3A_18, %ne3A_22 : vector<64x4xi1>
    %sub3A = arith.constant 1 : i32
    %sub3A_23 = vector.broadcast %sub3A : i32 to vector<64x4xi32>
    %sub3A_24 = arith.subi %div3A_2, %sub3A_23 : vector<64x4xi32>
    %select_n3A = arith.select %and3A, %sub3A_24, %div3A_2 : vector<64x4xi1>, vector<64x4xi32>
    %jit3A_25 = arith.constant 4 : i32
    %eq3A = arith.constant 0 : i32
    %eq3A_26 = arith.cmpi eq, %jit3A_25, %eq3A : i32
    %jit3A_27 = arith.constant 1 : i32
    %select_n3A_28 = arith.select %eq3A_26, %jit3A_27, %jit3A_25 : i32
    %rem3A_29 = vector.broadcast %select_n3A_28 : i32 to vector<64x4xi32>
    %rem3A_30 = arith.remsi %select_n3A, %rem3A_29 : vector<64x4xi32>
    %ne3A_31 = arith.constant 0 : i32
    %ne3A_32 = vector.broadcast %ne3A_31 : i32 to vector<64x4xi32>
    %ne3A_33 = arith.cmpi ne, %rem3A_30, %ne3A_32 : vector<64x4xi32>
    %lt3A = arith.constant 0 : i32
    %lt3A_34 = vector.broadcast %lt3A : i32 to vector<64x4xi32>
    %lt3A_35 = arith.cmpi slt, %rem3A_30, %lt3A_34 : vector<64x4xi32>
    %lt3A_36 = arith.constant 0 : i32
    %lt3A_37 = arith.cmpi slt, %select_n3A_28, %lt3A_36 : i32
    %ne3A_38 = vector.broadcast %lt3A_37 : i1 to vector<64x4xi1>
    %ne3A_39 = vector.broadcast %ne3A_38 : vector<64x4xi1> to vector<64x4xi1>
    %ne3A_40 = arith.xori %lt3A_35, %ne3A_39 : vector<64x4xi1>
    %and3A_41 = arith.andi %ne3A_40, %ne3A_33 : vector<64x4xi1>
    %add3A = vector.broadcast %select_n3A_28 : i32 to vector<64x4xi32>
    %add3A_42 = arith.addi %rem3A_30, %add3A : vector<64x4xi32>
    %select_n3A_43 = arith.select %and3A_41, %add3A_42, %rem3A_30 : vector<64x4xi1>, vector<64x4xi32>
    %eq3A_44 = arith.cmpi eq, %select_n3A_43, %iota3A_0 : vector<64x4xi32>
    %convert_element_type3A = arith.extui %eq3A_44 : vector<64x4xi1> to vector<64x4xi32>
    %convert_element_type3A_45 = arith.sitofp %convert_element_type3A : vector<64x4xi32> to vector<64x4xf32>
    %add3A_46 = arith.addf %broadcast_in_dim3A_1, %convert_element_type3A_45 : vector<64x4xf32>
    %jit3A_47 = arith.constant 4 : i32
    %div3A_48 = vector.broadcast %jit3A_47 : i32 to vector<64x4xi32>
    %div3A_49 = arith.divsi %iota3A, %div3A_48 : vector<64x4xi32>
    %sign3A_50 = arith.constant 0 : i32
    %sign3A_51 = vector.broadcast %sign3A_50 : i32 to vector<64x4xi32>
    %sign3A_52 = arith.cmpi sgt, %iota3A, %sign3A_51 : vector<64x4xi32>
    %sign3A_53 = arith.extui %sign3A_52 : vector<64x4xi1> to vector<64x4xi32>
    %sign3A_54 = arith.constant 0 : i32
    %sign3A_55 = vector.broadcast %sign3A_54 : i32 to vector<64x4xi32>
    %sign3A_56 = arith.cmpi slt, %iota3A, %sign3A_55 : vector<64x4xi32>
    %sign3A_57 = arith.extui %sign3A_56 : vector<64x4xi1> to vector<64x4xi32>
    %sign3A_58 = arith.subi %sign3A_53, %sign3A_57 : vector<64x4xi32>
    %sign3A_59 = arith.constant 0 : i32
    %sign3A_60 = arith.cmpi sgt, %jit3A_47, %sign3A_59 : i32
    %sign3A_61 = arith.extui %sign3A_60 : i1 to i32
    %sign3A_62 = arith.constant 0 : i32
    %sign3A_63 = arith.cmpi slt, %jit3A_47, %sign3A_62 : i32
    %sign3A_64 = arith.extui %sign3A_63 : i1 to i32
    %sign3A_65 = arith.subi %sign3A_61, %sign3A_64 : i32
    %ne3A_66 = vector.broadcast %sign3A_65 : i32 to vector<64x4xi32>
    %ne3A_67 = arith.cmpi ne, %sign3A_58, %ne3A_66 : vector<64x4xi32>
    %rem3A_68 = vector.broadcast %jit3A_47 : i32 to vector<64x4xi32>
    %rem3A_69 = arith.remsi %iota3A, %rem3A_68 : vector<64x4xi32>
    %ne3A_70 = arith.constant 0 : i32
    %ne3A_71 = vector.broadcast %ne3A_70 : i32 to vector<64x4xi32>
    %ne3A_72 = arith.cmpi ne, %rem3A_69, %ne3A_71 : vector<64x4xi32>
    %and3A_73 = arith.andi %ne3A_67, %ne3A_72 : vector<64x4xi1>
    %sub3A_74 = arith.constant 1 : i32
    %sub3A_75 = vector.broadcast %sub3A_74 : i32 to vector<64x4xi32>
    %sub3A_76 = arith.subi %div3A_49, %sub3A_75 : vector<64x4xi32>
    %select_n3A_77 = arith.select %and3A_73, %sub3A_76, %div3A_49 : vector<64x4xi1>, vector<64x4xi32>
    %jit3A_78 = arith.constant 4 : i32
    %eq3A_79 = arith.constant 0 : i32
    %eq3A_80 = arith.cmpi eq, %jit3A_78, %eq3A_79 : i32
    %jit3A_81 = arith.constant 1 : i32
    %select_n3A_82 = arith.select %eq3A_80, %jit3A_81, %jit3A_78 : i32
    %rem3A_83 = vector.broadcast %select_n3A_82 : i32 to vector<64x4xi32>
    %rem3A_84 = arith.remsi %select_n3A_77, %rem3A_83 : vector<64x4xi32>
    %ne3A_85 = arith.constant 0 : i32
    %ne3A_86 = vector.broadcast %ne3A_85 : i32 to vector<64x4xi32>
    %ne3A_87 = arith.cmpi ne, %rem3A_84, %ne3A_86 : vector<64x4xi32>
    %lt3A_88 = arith.constant 0 : i32
    %lt3A_89 = vector.broadcast %lt3A_88 : i32 to vector<64x4xi32>
    %lt3A_90 = arith.cmpi slt, %rem3A_84, %lt3A_89 : vector<64x4xi32>
    %lt3A_91 = arith.constant 0 : i32
    %lt3A_92 = arith.cmpi slt, %select_n3A_82, %lt3A_91 : i32
    %ne3A_93 = vector.broadcast %lt3A_92 : i1 to vector<64x4xi1>
    %ne3A_94 = vector.broadcast %ne3A_93 : vector<64x4xi1> to vector<64x4xi1>
    %ne3A_95 = arith.xori %lt3A_90, %ne3A_94 : vector<64x4xi1>
    %and3A_96 = arith.andi %ne3A_95, %ne3A_87 : vector<64x4xi1>
    %add3A_97 = vector.broadcast %select_n3A_82 : i32 to vector<64x4xi32>
    %add3A_98 = arith.addi %rem3A_84, %add3A_97 : vector<64x4xi32>
    %select_n3A_99 = arith.select %and3A_96, %add3A_98, %rem3A_84 : vector<64x4xi1>, vector<64x4xi32>
    %eq3A_100 = arith.cmpi eq, %select_n3A_99, %iota3A_0 : vector<64x4xi32>
    %convert_element_type3A_101 = arith.extui %eq3A_100 : vector<64x4xi1> to vector<64x4xi32>
    %convert_element_type3A_102 = arith.sitofp %convert_element_type3A_101 : vector<64x4xi32> to vector<64x4xf32>
    %add3A_103 = arith.addf %add3A_46, %convert_element_type3A_102 : vector<64x4xf32>
    %jit3A_104 = arith.constant 1 : i32
    %div3A_105 = vector.broadcast %jit3A_104 : i32 to vector<64x4xi32>
    %div3A_106 = arith.divsi %iota3A, %div3A_105 : vector<64x4xi32>
    %sign3A_107 = arith.constant 0 : i32
    %sign3A_108 = vector.broadcast %sign3A_107 : i32 to vector<64x4xi32>
    %sign3A_109 = arith.cmpi sgt, %iota3A, %sign3A_108 : vector<64x4xi32>
    %sign3A_110 = arith.extui %sign3A_109 : vector<64x4xi1> to vector<64x4xi32>
    %sign3A_111 = arith.constant 0 : i32
    %sign3A_112 = vector.broadcast %sign3A_111 : i32 to vector<64x4xi32>
    %sign3A_113 = arith.cmpi slt, %iota3A, %sign3A_112 : vector<64x4xi32>
    %sign3A_114 = arith.extui %sign3A_113 : vector<64x4xi1> to vector<64x4xi32>
    %sign3A_115 = arith.subi %sign3A_110, %sign3A_114 : vector<64x4xi32>
    %sign3A_116 = arith.constant 0 : i32
    %sign3A_117 = arith.cmpi sgt, %jit3A_104, %sign3A_116 : i32
    %sign3A_118 = arith.extui %sign3A_117 : i1 to i32
    %sign3A_119 = arith.constant 0 : i32
    %sign3A_120 = arith.cmpi slt, %jit3A_104, %sign3A_119 : i32
    %sign3A_121 = arith.extui %sign3A_120 : i1 to i32
    %sign3A_122 = arith.subi %sign3A_118, %sign3A_121 : i32
    %ne3A_123 = vector.broadcast %sign3A_122 : i32 to vector<64x4xi32>
    %ne3A_124 = arith.cmpi ne, %sign3A_115, %ne3A_123 : vector<64x4xi32>
    %rem3A_125 = vector.broadcast %jit3A_104 : i32 to vector<64x4xi32>
    %rem3A_126 = arith.remsi %iota3A, %rem3A_125 : vector<64x4xi32>
    %ne3A_127 = arith.constant 0 : i32
    %ne3A_128 = vector.broadcast %ne3A_127 : i32 to vector<64x4xi32>
    %ne3A_129 = arith.cmpi ne, %rem3A_126, %ne3A_128 : vector<64x4xi32>
    %and3A_130 = arith.andi %ne3A_124, %ne3A_129 : vector<64x4xi1>
    %sub3A_131 = arith.constant 1 : i32
    %sub3A_132 = vector.broadcast %sub3A_131 : i32 to vector<64x4xi32>
    %sub3A_133 = arith.subi %div3A_106, %sub3A_132 : vector<64x4xi32>
    %select_n3A_134 = arith.select %and3A_130, %sub3A_133, %div3A_106 : vector<64x4xi1>, vector<64x4xi32>
    %jit3A_135 = arith.constant 4 : i32
    %eq3A_136 = arith.constant 0 : i32
    %eq3A_137 = arith.cmpi eq, %jit3A_135, %eq3A_136 : i32
    %jit3A_138 = arith.constant 1 : i32
    %select_n3A_139 = arith.select %eq3A_137, %jit3A_138, %jit3A_135 : i32
    %rem3A_140 = vector.broadcast %select_n3A_139 : i32 to vector<64x4xi32>
    %rem3A_141 = arith.remsi %select_n3A_134, %rem3A_140 : vector<64x4xi32>
    %ne3A_142 = arith.constant 0 : i32
    %ne3A_143 = vector.broadcast %ne3A_142 : i32 to vector<64x4xi32>
    %ne3A_144 = arith.cmpi ne, %rem3A_141, %ne3A_143 : vector<64x4xi32>
    %lt3A_145 = arith.constant 0 : i32
    %lt3A_146 = vector.broadcast %lt3A_145 : i32 to vector<64x4xi32>
    %lt3A_147 = arith.cmpi slt, %rem3A_141, %lt3A_146 : vector<64x4xi32>
    %lt3A_148 = arith.constant 0 : i32
    %lt3A_149 = arith.cmpi slt, %select_n3A_139, %lt3A_148 : i32
    %ne3A_150 = vector.broadcast %lt3A_149 : i1 to vector<64x4xi1>
    %ne3A_151 = vector.broadcast %ne3A_150 : vector<64x4xi1> to vector<64x4xi1>
    %ne3A_152 = arith.xori %lt3A_147, %ne3A_151 : vector<64x4xi1>
    %and3A_153 = arith.andi %ne3A_152, %ne3A_144 : vector<64x4xi1>
    %add3A_154 = vector.broadcast %select_n3A_139 : i32 to vector<64x4xi32>
    %add3A_155 = arith.addi %rem3A_141, %add3A_154 : vector<64x4xi32>
    %select_n3A_156 = arith.select %and3A_153, %add3A_155, %rem3A_141 : vector<64x4xi1>, vector<64x4xi32>
    %eq3A_157 = arith.cmpi eq, %select_n3A_156, %iota3A_0 : vector<64x4xi32>
    %convert_element_type3A_158 = arith.extui %eq3A_157 : vector<64x4xi1> to vector<64x4xi32>
    %convert_element_type3A_159 = arith.sitofp %convert_element_type3A_158 : vector<64x4xi32> to vector<64x4xf32>
    %add3A_160 = arith.addf %add3A_103, %convert_element_type3A_159 : vector<64x4xf32>
    %mul3A = arith.constant 0.333333343 : f32
    %mul3A_161 = vector.broadcast %mul3A : f32 to vector<64x4xf32>
    %mul3A_162 = arith.mulf %add3A_160, %mul3A_161 : vector<64x4xf32>
    %get3A = arith.constant 0 : index
    %get3A_163 = arith.constant 0 : index
    %get3A_164 = vector.load %arg0[%get3A, %get3A_163] : memref<4x20xf32, #tpu.memory_space<vmem>>, vector<4x20xf32>
    %dot_general3A = arith.constant dense<0.000000e+00> : vector<64x20xf32>
    %dot_general3A_165 = tpu.matmul %mul3A_162, %get3A_164, %dot_general3A {dimension_numbers = #tpu.dot_dimension_numbers<[1], [0], [0], [1], [0, 0, 1, 1], [], []>, transpose_lhs_hint = false} : vector<64x4xf32>, vector<4x20xf32>, vector<64x20xf32> -> vector<64x20xf32>
    %get3A_166 = arith.constant 0 : index
    %get3A_167 = arith.constant 0 : index
    %get3A_168 = vector.load %arg1[%get3A_166, %get3A_167] : memref<20x3xf32, #tpu.memory_space<vmem>>, vector<20x3xf32>
    %dot_general3A_169 = arith.constant dense<0.000000e+00> : vector<64x3xf32>
    %dot_general3A_170 = tpu.matmul %dot_general3A_165, %get3A_168, %dot_general3A_169 {dimension_numbers = #tpu.dot_dimension_numbers<[1], [0], [0], [1], [0, 0, 1, 1], [], []>, transpose_lhs_hint = false} : vector<64x20xf32>, vector<20x3xf32>, vector<64x3xf32> -> vector<64x3xf32>
    %get3A_171 = arith.constant 0 : index
    %get3A_172 = arith.constant 0 : index
    %get3A_173 = vector.load %arg2[%get3A_171, %get3A_172] : memref<1x3xf32, #tpu.memory_space<vmem>>, vector<1x3xf32>
    %add3A_174 = vector.broadcast %get3A_173 : vector<1x3xf32> to vector<64x3xf32>
    %add3A_175 = arith.addf %dot_general3A_170, %add3A_174 : vector<64x3xf32>
    %reduce_max3A = arith.constant dense<0xFF800000> : vector<64xf32>
    %reduce_max3A_176 = vector.multi_reduction <maximumf>, %add3A_175, %reduce_max3A [1] : vector<64x3xf32> to vector<64xf32>
    %broadcast_in_dim3A_177 = vector.shape_cast %reduce_max3A_176 : vector<64xf32> to vector<64x1xf32>
    %sub3A_178 = vector.broadcast %broadcast_in_dim3A_177 : vector<64x1xf32> to vector<64x3xf32>
    %sub3A_179 = arith.subf %add3A_175, %sub3A_178 : vector<64x3xf32>
    %exp3A = math.exp %sub3A_179 : vector<64x3xf32>
    %reduce_sum3A = arith.constant dense<0.000000e+00> : vector<64xf32>
    %reduce_sum3A_180 = vector.multi_reduction <add>, %exp3A, %reduce_sum3A [1] : vector<64x3xf32> to vector<64xf32>
    %broadcast_in_dim3A_181 = vector.shape_cast %reduce_sum3A_180 : vector<64xf32> to vector<64x1xf32>
    %div3A_182 = vector.broadcast %broadcast_in_dim3A_181 : vector<64x1xf32> to vector<64x3xf32>
    %div3A_183 = arith.divf %exp3A, %div3A_182 : vector<64x3xf32>
    %swap3A = arith.constant 0 : index
    %swap3A_184 = arith.constant 0 : index
    %swap3A_185 = vector.load %arg3[%swap3A, %swap3A_184] : memref<64x3xf32, #tpu.memory_space<vmem>>, vector<64x3xf32>
    tpu.vector_store %arg3[%swap3A, %swap3A_184], %div3A_183 {strides = array<i32>} : memref<64x3xf32, #tpu.memory_space<vmem>>, vector<64x3xf32>,
    return
  }
}

</mosaic_0001>

<sc_bundles>
// kernel: kernel.4.cloned.1.call-start
scs
__scs_entry_jumppad:
0x0: {  	(pc) =	sbr.rel $0x88, $3  }
0x1: {  	(tag) =	ssettag $0x0;
	lr =	simm.s32 $0x1  }
0x2: {  	[smem:$0x3F9D] =	sst lr;
	_ =	strace $0xD0000000  }
0x3: {  	_ = 	snop  }
0x4: {  	_ = 	snop  }
0x5: {  	_ = 	snop  }
0x6: {  	_ = 	snop  }
0x7: {  	_ = 	snop  }
__scs_overlays_trampoline_lowered:
0x8: {  	[smem:$0x3FAC] =	sst s0  }
0x9: {  	[smem:$0x3FAD] =	sst s1  }
0xa: {  	[smem:$0x3FAE] =	sst s2  }
0xb: {  	[smem:$0x3FAF] =	sst s3  }
0xc: {  	[smem:$0x3FB0] =	sst s4  }
0xd: {  	[smem:$0x3FB1] =	sst s5  }
0xe: {  	[smem:$0x3FB2] =	sst s6  }
0xf: {  	[smem:$0x3FB3] =	sst s7  }
0x10: {  	[smem:$0x3FB4] =	sst s8  }
0x11: {  	[smem:$0x3FB5] =	sst s9;
	s0 =	simm.s32 @!p0 $0x0  }
0x12: {  	s1 =	sld [smem:$0x3F9B];
	s0 =	simm.s32 @p0 $0x1  }
0x13: {  	[smem:$0x3FB6] =	sst s0;
	s0 =	simm.s32 @!p1 $0x0  }
0x14: {  	s2 =	sld [smem:$0x3F9A];
	s0 =	simm.s32 @p1 $0x1  }
0x15: {  	[smem:$0x3FB7] =	sst s0;
	s0 =	simm.s32 @!p2 $0x0  }
0x16: {  	s3 =	sld [smem:$0x3FDB];
	s0 =	simm.s32 @p2 $0x1  }
0x17: {  	s4 =	simm.s32 $0x1BF5;
	[smem:$0x3FB9] =	sst s0  }
0x18: {  	s0 =	sld [smem:$0x3F9C];
	_ =	swait.ge [sflag:s4], $0x0  }
0x19: {  	s7 =	sld [smem:$0x3F9D]  }
0x1a: {  	s8 =	sadd.s32 $0xFFFFE003, lr  }
0x1b: {  	s9 =	sadd.s32 $0xFFFFFEF7, lr;
	s5 =	simm.s32 $0xFFFFFFFF;
	p2 =	slt.u32 s8, $0xFFFFF086  }
0x1c: {  	p1 =	slt.u32 s9, $0xF7A;
	s5 =	simm.s32 @!p2 $0x0  }
0x1d: {  	s5 =	simm.s32 @p1 $0x1;
	p0 =	seq.s32 s7, s2  }
0x1e: {  	s7 =	smul.u32 @!p0 $0xF7A, s2;
	p2 =	seq.s32 @!p0 s5, $0x0  }
0x1f: {  	s9 =	smul.u32 $0xF7A, s1;
	s8 =	simm.s32 @!p0 $0x1BF5;
	p2 =	por !p2, p0  }
0x20: {  	[sflag:s8] =	ssyncset.s32 @!p0 $0xFFFFF086;
	s6 =	sadd.s32 @!p0 s3, s7;
	s7 =	simm.s32 @!p0 $0x108  }
0x21: {  	s3 =	sadd.s32 s3, s9;
	s6 =	sadd.s32 @!p0 $0x88, s6;
	s7 =	simm.s32 @p2 $0x1082  }
0x22: {  	[simem:s7], [sflag:s8] =	dma.local @!p0 [hbm:s6], $0xF7A  }
0x23: {  	s9 =	sor.u32 $0xD0000000, s2;
	s6 =	simm.s32 $0x108;
	_ =	swait.ge @!p0 [sflag:s8], $0x0  }
0x24: {  	s3 =	sadd.s32 $0x88, s3;
	s6 =	simm.s32 @!p1 $0x1082;
	[sflag:s4] =	ssyncset.s32 $0xFFFFF086  }
0x25: {  	[simem:s6], [sflag:s4] =	dma.local [hbm:s3], $0xF7A  }
0x26: {  	[smem:$0x3F9D] =	sst s1;
	(tag) =	ssettag s2;
	_ =	strace s9  }
0x27: {  	s1 =	sld [smem:$0x3FAD]  }
0x28: {  	s2 =	sld [smem:$0x3FAE]  }
0x29: {  	s4 =	sld [smem:$0x3FB0]  }
0x2a: {  	p0 =	seq.s32 s5, $0x0;
	s5 =	sld [smem:$0x3FB1]  }
0x2b: {  	s6 =	sld [smem:$0x3FB2]  }
0x2c: {  	s7 =	sld [smem:$0x3FB3]  }
0x2d: {  	s3 =	simm.s32 $0x108;
	s8 =	sld [smem:$0x3FB4]  }
0x2e: {  	s3 =	simm.s32 @!p0 $0x1082;
	s9 =	sld [smem:$0x3FB5]  }
0x2f: {  	lr =	sadd.s32 s0, s3;
	s0 =	sld [smem:$0x3FAC]  }
0x30: {  	s3 =	sld [smem:$0x3FAF]  }
0x31: {  	[smem:$0x3FB8] =	sst s10  }
0x32: {  	s10 =	sld [smem:$0x3FB6];
	_ =	sdelay $0x3  }
0x33: {  	p0 =	seq.s32 s10, $0x1;
	s10 =	sld [smem:$0x3FB8];
	_ =	sdelay $0x3  }
0x34: {  	[smem:$0x3FB8] =	sst s10  }
0x35: {  	s10 =	sld [smem:$0x3FB7];
	_ =	sdelay $0x3  }
0x36: {  	p1 =	seq.s32 s10, $0x1;
	s10 =	sld [smem:$0x3FB8];
	_ =	sdelay $0x3  }
0x37: {  	[smem:$0x3FB8] =	sst s10  }
0x38: {  	s10 =	sld [smem:$0x3FB9]  }
0x39: {  	_ = 	snop;
	(pc) =	sbr.ind lr, $3  }
0x3a: {  	_ = 	snop  }
0x3b: {  	_ = 	snop  }
0x3c: {  	p2 =	seq.s32 s10, $0x1;
	s10 =	sld [smem:$0x3FB8]  }
0x3d: {  	_ =	shalt  }
0x3e: {  	_ =	shalt  }
0x3f: {  	_ =	shalt  }
0x40: {  	_ =	shalt  }
0x41: {  	_ =	shalt  }
0x42: {  	_ =	shalt  }
0x43: {  	_ =	shalt  }
0x44: {  	_ =	shalt  }
0x45: {  	_ =	shalt  }
0x46: {  	_ =	shalt  }
0x47: {  	_ =	shalt  }
0x48: {  	_ =	shalt  }
0x49: {  	_ =	shalt  }
0x4a: {  	_ =	shalt  }
0x4b: {  	_ =	shalt  }
0x4c: {  	_ =	shalt  }
0x4d: {  	_ =	shalt  }
0x4e: {  	_ =	shalt  }
0x4f: {  	_ =	shalt  }
0x50: {  	_ =	shalt  }
0x51: {  	_ =	shalt  }
0x52: {  	_ =	shalt  }
0x53: {  	_ =	shalt  }
0x54: {  	_ =	shalt  }
0x55: {  	_ =	shalt  }
0x56: {  	_ =	shalt  }
0x57: {  	_ =	shalt  }
0x58: {  	_ =	shalt  }
0x59: {  	_ =	shalt  }
0x5a: {  	_ =	shalt  }
0x5b: {  	_ =	shalt  }
0x5c: {  	_ =	shalt  }
0x5d: {  	_ =	shalt  }
0x5e: {  	_ =	shalt  }
0x5f: {  	_ =	shalt  }
0x60: {  	_ =	shalt  }
0x61: {  	_ =	shalt  }
0x62: {  	_ =	shalt  }
0x63: {  	_ =	shalt  }
0x64: {  	_ =	shalt  }
0x65: {  	_ =	shalt  }
0x66: {  	_ =	shalt  }
0x67: {  	_ =	shalt  }
0x68: {  	_ =	shalt  }
0x69: {  	_ =	shalt  }
0x6a: {  	_ =	shalt  }
0x6b: {  	_ =	shalt  }
0x6c: {  	_ =	shalt  }
0x6d: {  	_ =	shalt  }
0x6e: {  	_ =	shalt  }
0x6f: {  	_ =	shalt  }
0x70: {  	_ =	shalt  }
0x71: {  	_ =	shalt  }
0x72: {  	_ =	shalt  }
0x73: {  	_ =	shalt  }
0x74: {  	_ =	shalt  }
0x75: {  	_ =	shalt  }
0x76: {  	_ =	shalt  }
0x77: {  	_ =	shalt  }
0x78: {  	_ =	shalt  }
0x79: {  	_ =	shalt  }
0x7a: {  	_ =	shalt  }
0x7b: {  	_ =	shalt  }
0x7c: {  	_ =	shalt  }
0x7d: {  	_ =	shalt  }
0x7e: {  	_ =	shalt  }
0x7f: {  	_ =	shalt  }
0x80: {  	_ =	shalt  }
0x81: {  	_ =	shalt  }
0x82: {  	_ =	shalt  }
0x83: {  	_ =	shalt  }
0x84: {  	_ =	shalt  }
0x85: {  	_ =	shalt  }
0x86: {  	_ =	shalt  }
0x87: {  	_ =	shalt  }
.Lfunc_end0:
.L_simem_size_0:
called_computation_lowered:
.L_overlay_start_0:
0x88: {  	s0 =	sld [smem:$0x3FD9]  }
0x89: {  	s1 =	sld [smem:$0x3FFE];
	_ =	sdelay $0x3  }
0x8a: {  	s0 =	sadd.s32 s1, s0  }
0x8b: {  	[smem:$0x3FC4] =	sst s0  }
0x8c: {  	_ = 	snop  }
0x8d: {  	s0 =	sld [smem:$0x3FD0];
	(tm) =	ssettm $0x1  }
0x8e: {  	s16 =	sld [smem:$0x3FFB];
	_ =	sdelay $0x3  }
0x8f: {  	_ =	strace s16  }
0x90: {  	s1 =	sld [smem:$0x3FFC];
	_ =	sdelay $0x3  }
0x91: {  	_ =	strace s1  }
0x92: {  	s1 =	sld [smem:$0x3FFD];
	_ =	sdelay $0x3  }
0x93: {  	_ =	strace s1  }
0x94: {  	_ =	strace $0x8FFFFFFF  }
0x95: {  	s17 =	sld [smem:$0x3FDB];
	_ =	sdelay $0x1  }
0x96: {  	s2 =	simm.s32 $_scs_section_size  }
0x97: {  	s3 =	simm.s32 $_size__tile_overlayer_lowered;
	s4 =	simm.s32 $_tile_overlayer_lowered  }
0x98: {  	s20 =	simm.s32 $0x1BFF;
	s19 =	sshll.u32 s4, $0x1;
	s1 =	sadd.s32 s2, s17  }
0x99: {  	s5 =	simm.s32 $0x0;
	s18 =	sshll.u32 s3, $0x1;
	s3 =	sadd.s32 s19, s1  }
0x9a: {  	[timem:s5], [sflag:s20] =	dma.local [hbm:s3], s18  }
0x9b: {  	_ =	swait.ge [sflag:s20], s18  }
0x9c: {  	s2 =	ssub.s32 $0x0, s18;
	[sflag:s20] =	ssyncset.done $0x0  }
0x9d: {  	[sflag:s20] =	ssyncadd.s32 s2;
	_ =	sdelay $0x1  }
0x9e: {  	s21 =	simm.s32 $0x1B8B  }
0x9f: {  	_ =	swait.ge [sflag:s21], $0x1  }
0xa0: {  	[sflag:s21] =	ssyncset.done $0x0  }
0xa1: {  	s23 =	simm.s32 $0x1B8E;
	s22 =	sld [smem:$0x3FFE];
	[sflag:s21] =	ssyncadd.s32 $0xFFFFFFFF  }
0xa2: {  	s24 =	simm.s32 $execute0_lowered;
	[smem:$0x3FD2] =	sst s23  }
0xa3: {  	s3 =	sshll.u32 s24, $0x1;
	_ =	strace $0x80000046;
	[dreg:$0x1] =	wrdreg $0xFFFFFFFF  }
0xa4: {  	s25 =	simm.s32 $_size_execute0_lowered;
	s1 =	sadd.s32 s1, s3;
	[dreg:$0x0] =	wrdreg $0x0  }
0xa5: {  	s3 =	sshll.u32 s25, $0x1;
	[dreg:$0x2] =	wrdreg s1  }
0xa6: {  	[dreg:$0x3] =	wrdreg s3  }
0xa7: {  	[dreg:$0x4] =	wrdreg $0xC0  }
0xa8: {  	_ =	task [dreg:s5], $0x5FFFF  }
0xa9: {  	[dreg:$0x1] =	wrdreg $0xFFFFFFFF  }
0xaa: {  	[dreg:$0x0] =	wrdreg $0x60  }
0xab: {  	[dreg:$0x2] =	wrdreg s0  }
0xac: {  	[dreg:$0x3] =	wrdreg s22  }
0xad: {  	[dreg:$0x4] =	wrdreg $0x9  }
0xae: {  	_ =	task.clear_ibuf [dreg:s5], $0x5FFFF;
	_ =	strace $0x90000046  }
0xaf: {  	s26 =	simm.s32 $0x9;
	_ =	strace $0x80000048  }
0xb0: {  	_ =	swait.ge [sflag:s26], $0x1  }
0xb1: {  	[sflag:s26] =	ssyncadd.s32 $0xFFFFFFFF  }
0xb2: {  	_ =	strace $0x90000048  }
0xb3: {  	_ =	sfence  }
0xb4: {  	s28 =	sld [smem:$0x0];
	_ =	sdelay $0x1  }
0xb5: {  	s29 =	srdreg.scid  }
0xb6: {  	s30 =	sshll.u32 s29, $0xD;
	s31 =	sshrl.u32 s29, $0x2  }
0xb7: {  	s2 =	sand.u32 $0x4000, s30;
	s1 =	sand.u32 $0x1, s29;
	s0 =	sadd.s32 s31, s28  }
0xb8: {  	s1 =	sor.u32 s2, s1;
	s0 =	sshll.u32 s0, $0x11  }
0xb9: {  	s0 =	sor.u32 s0, s1  }
0xba: {  	s0 =	sadd.s32 $0x8F2B, s0  }
0xbb: {  	[sflag:s0] =	ssyncadd.remote.s32 $0x1  }
0xbc: {  	_ =	sfence.sel $0xFFFF  }
0xbd: {  	[dreg:$0x0] =	wrdreg $0xFFFFFFFF;
	(pc) =	sbr.abs _section_cstart, $3  }
0xbe: {  	[dreg:$0x1] =	wrdreg $0xFFFFFFFF  }
0xbf: {  	_ =	task.clear_ibuf [dreg:s5], $0x2FFFF;
	_ =	strace $0x9FFFFFFF  }
0xc0: {  	(tm) =	ssettm $0x7FFFFFFF  }
0xc1: {  	_ =	shalt  }
tec
execute0_lowered:
.L_overlay_start_1:
0x0: {  	(tag) =	ssettag $0x1  }
0x1: {  	s5 =	rddreg [dreg:$0x0]  }
0x2: {  	s7 =	rddreg [dreg:$0x1]  }
0x3: {  	s0 =	rddreg [dreg:$0x2];
	s6 =	simm.s32 $0x0;
	s1 =	stileid.u32  }
0x4: {  	[smem:$0x7FF] =	sst s6;
	s4 =	sshll.u32 s1, $0x7  }
0x5: {  	_ =	strace $0x80000047;
	s2 =	sadd.s32 s5, s4;
	s3 =	sor.u32 $0x800, s4  }
0x6: {  	[tilespmem:s6], [sflag:$0x1] =	stream.linear.gather [hbm4b:s2+s6], $0x400, $0x38;
	[tilespmem:$0x1900] =	vst v63  }
0x7: {  	s9 =	simm.s32 $0x400;
	s8 =	sadd.s32 s5, s3;
	s2 =	sor.u32 $0x1000, s4  }
0x8: {  	[tilespmem:s9], [sflag:$0x1] =	stream.linear.gather [hbm4b:s8+s6], $0x400, $0x38;
	[tilespmem:$0x1900] =	vst v63  }
0x9: {  	s26 =	simm.s32 $0x800;
	s5 =	sadd.s32 s5, s2  }
0xa: {  	[tilespmem:s26], [sflag:$0x1] =	stream.linear.gather [hbm4b:s5+s6], $0x400, $0x38;
	[tilespmem:$0x1900] =	vst v63  }
0xb: {  	s29 =	simm.s32 $0x2;
	s28 =	sadd.s32 $0x800, s7;
	s5 =	simm.s32 $0xC00  }
0xc: {  	[tilespmem:s5], [sflag:$0x2] =	stream.linear.gather [hbm4b:s28+s6], $0x100, $0x38;
	[tilespmem:$0x1900] =	vst v63  }
0xd: {  	_ =	swait.ge [sflag:s29], $0x100  }
0xe: {  	[sflag:s29] =	ssyncset.done $0x0  }
0xf: {  	s30 =	simm.s32 $0x1;
	[sflag:s29] =	ssyncadd.s32 $0xFFFFFF00  }
0x10: {  	_ =	swait.ge [sflag:s30], $0x400  }
0x11: {  	[sflag:s30] =	ssyncset.done $0x0  }
0x12: {  	[sflag:s30] =	ssyncadd.s32 $0xFFFFFC00  }
0x13: {  	_ =	swait.ge [sflag:s30], $0x400  }
0x14: {  	[sflag:s30] =	ssyncset.done $0x0  }
0x15: {  	[sflag:s30] =	ssyncadd.s32 $0xFFFFFC00  }
0x16: {  	_ =	swait.ge [sflag:s30], $0x400  }
0x17: {  	[sflag:s30] =	ssyncset.done $0x0  }
0x18: {  	s31 =	simm.s32 $0x440;
	[sflag:s30] =	ssyncadd.s32 $0xFFFFFC00  }
0x19: {  	v0 =	vld [tilespmem:s31+$0xFFFFFC30]  }
0x1a: {  	v1 =	vld [tilespmem:s31+$0x30]  }
0x1b: {  	v2 =	vld [tilespmem:s31+$0xFFFFFFC0]  }
0x1c: {  	v3 =	vld [tilespmem:s31+$0x430]  }
0x1d: {  	v4 =	vld [tilespmem:s31+$0xFFFFFBD0]  }
0x1e: {  	v5 =	vld [tilespmem:s31+$0xFFFFFFD0]  }
0x1f: {  	v6 =	vld [tilespmem:s31+$0xFFFFFBE0]  }
0x20: {  	v7 =	vld [tilespmem:s31+$0xFFFFFFE0]  }
0x21: {  	v8 =	vld [tilespmem:s31+$0xFFFFFC00]  }
0x22: {  	v9 =	vld [tilespmem:s31+$0x0]  }
0x23: {  	v10 =	vld [tilespmem:s31+$0xFFFFFC10];
	v0 =	vshll.u32 v0, $0x4;
	v1 =	vshll.u32 v1, $0x2  }
0x24: {  	v11 =	vld [tilespmem:s31+$0x10];
	v0 =	vadd.s32 v0, v1  }
0x25: {  	v15 =	vld [tilespmem:s31+$0xFFFFFBC0];
	v0 =	vadd.s32 v3, v0  }
0x26: {  	v17 =	vld [tilespmem:s31+$0x3C0];
	v0 =	vmul.u32 $0x3, v0  }
0x27: {  	v4 =	vshll.u32 v4, $0x4;
	v5 =	vshll.u32 v5, $0x2;
	v1 =	vld [tilespmem:s31+$0xFFFFFBF0]  }
0x28: {  	v4 =	vadd.s32 v4, v5;
	v5 =	vshll.u32 v6, $0x4;
	v6 =	vshll.u32 v7, $0x2;
	v7 =	vld [tilespmem:s31+$0x3E0]  }
0x29: {  	v3 =	vld [tilespmem:s31+$0xFFFFFFF0]  }
0x2a: {  	v18 =	vld [tilespmem:s31+$0x3D0]  }
0x2b: {  	v12 =	vld [tilespmem:s31+$0xFFFFFC20];
	v2 =	vshll.u32 v2, $0x2;
	v8 =	vshll.u32 v8, $0x4;
	v53 =	vshll.u32 v15, $0x4  }
0x2c: {  	v9 =	vshll.u32 v9, $0x2;
	v2 =	vadd.s32 v53, v2;
	v5 =	vadd.s32 v5, v6;
	v13 =	vld.idx.msk [tilespmem:v0+s5+$0x0], $0xffff  }
0x2d: {  	v6 =	vld [tilespmem:s31+$0x3F0];
	v2 =	vadd.s32 v17, v2;
	v16 =	vadd.s32 $0x1, v0;
	v5 =	vadd.s32 v7, v5  }
0x2e: {  	v14 =	vld [tilespmem:s31+$0x20];
	v1 =	vshll.u32 v1, $0x4;
	v3 =	vshll.u32 v3, $0x2;
	v5 =	vmul.u32 $0x3, v5  }
0x2f: {  	v4 =	vadd.s32 v18, v4;
	v1 =	vadd.s32 v1, v3;
	v3 =	vadd.s32 v8, v9;
	v8 =	vld [tilespmem:s31+$0x400]  }
0x30: {  	s6 =	simm.s32 $0x1140;
	v2 =	vmul.u32 $0x3, v2;
	v9 =	vshll.u32 v10, $0x4;
	v10 =	vshll.u32 v11, $0x2;
	v11 =	vld [tilespmem:s31+$0x410]  }
0x31: {  	v55 =	vld [tilespmem:s31+$0x420];
	v4 =	vmul.u32 $0x3, v4;
	[tilespmem:s6+$0xFFFFFC30] =	vst v13  }
0x32: {  	v7 =	vshll.u32 v12, $0x4;
	v1 =	vadd.s32 v6, v1;
	v54 =	vld.idx.msk [tilespmem:v16+s5+$0x0], $0xffff  }
0x33: {  	v0 =	vadd.s32 $0x2, v0;
	v9 =	vadd.s32 v9, v10;
	v1 =	vmul.u32 $0x3, v1  }
0x34: {  	v6 =	vshll.u32 v14, $0x2;
	v58 =	vadd.s32 $0x1, v5;
	v3 =	vadd.s32 v8, v3;
	v8 =	vld.idx.msk [tilespmem:v5+s5+$0x0], $0xffff  }
0x35: {  	v6 =	vadd.s32 v7, v6;
	v10 =	vmul.u32 $0x3, v3;
	v3 =	vadd.s32 v11, v9  }
0x36: {  	v9 =	vmul.u32 $0x3, v3;
	v3 =	vadd.s32 v55, v6;
	v6 =	vld.idx.msk [tilespmem:v2+s5+$0x0], $0xffff  }
0x37: {  	v7 =	vadd.s32 $0x1, v2;
	v11 =	vmul.u32 $0x3, v3;
	v3 =	vld.idx.msk [tilespmem:v4+s5+$0x0], $0xffff;
	[tilespmem:s6+$0x30] =	vst v54  }
0x38: {  	v0 =	vld.idx.msk [tilespmem:v0+s5+$0x0], $0xffff  }
0x39: {  	v57 =	vld.idx.msk [tilespmem:v1+s5+$0x0], $0xffff;
	[tilespmem:s6+$0xFFFFFBE0] =	vst v8  }
0x3a: {  	v56 =	vadd.s32 $0x1, v4;
	v14 =	vld.idx.msk [tilespmem:v58+s5+$0x0], $0xffff  }
0x3b: {  	v60 =	vadd.s32 $0x1, v1;
	v59 =	vld.idx.msk [tilespmem:v10+s5+$0x0], $0xffff;
	[tilespmem:s6+$0xFFFFFBC0] =	vst v6  }
0x3c: {  	v61 =	vadd.s32 $0x1, v10;
	v7 =	vld.idx.msk [tilespmem:v7+s5+$0x0], $0xffff  }
0x3d: {  	v2 =	vadd.s32 $0x2, v2;
	[tilespmem:s6+$0x430] =	vst v0;
	v0 =	vld.idx.msk [tilespmem:v9+s5+$0x0], $0xffff  }
0x3e: {  	v6 =	vadd.s32 $0x1, v9;
	[tilespmem:s6+$0xFFFFFBD0] =	vst v3;
	v62 =	vld.idx.msk [tilespmem:v11+s5+$0x0], $0xffff  }
0x3f: {  	v3 =	vadd.s32 $0x1, v11;
	[tilespmem:s6+$0xFFFFFBF0] =	vst v57;
	v12 =	vld.idx.msk [tilespmem:v56+s5+$0x0], $0xffff  }
0x40: {  	v8 =	vadd.s32 $0x2, v4;
	v13 =	vld.idx.msk [tilespmem:v60+s5+$0x0], $0xffff;
	[tilespmem:s6+$0xFFFFFC00] =	vst v59  }
0x41: {  	v63 =	vadd.s32 $0x2, v5;
	v5 =	vld.idx.msk [tilespmem:v61+s5+$0x0], $0xffff;
	[tilespmem:s6+$0xFFFFFFC0] =	vst v7  }
0x42: {  	v4 =	vld.idx.msk [tilespmem:v2+s5+$0x0], $0xffff;
	[tilespmem:s6+$0xFFFFFC10] =	vst v0  }
0x43: {  	[tilespmem:s6+$0xFFFFFC20] =	vst v62;
	v6 =	vld.idx.msk [tilespmem:v6+s5+$0x0], $0xffff  }
0x44: {  	[tilespmem:s6+$0xFFFFFFD0] =	vst v12;
	v7 =	vld.idx.msk [tilespmem:v3+s5+$0x0], $0xffff  }
0x45: {  	s10 =	simm.s32 $0x4C0;
	[tilespmem:s6+$0xFFFFFFE0] =	vst v14;
	v2 =	vadd.s32 $0x2, v10;
	v8 =	vld.idx.msk [tilespmem:v8+s5+$0x0], $0xffff  }
0x46: {  	s7 =	sadd.s32 $0xA00, s7;
	s9 =	simm.s32 $0x0;
	s8 =	simm.s32 $0x1140;
	[tilespmem:s6+$0xFFFFFFF0] =	vst v13;
	v3 =	vadd.s32 $0x2, v1;
	v1 =	vadd.s32 $0x2, v9;
	v9 =	vld.idx.msk [tilespmem:v63+s5+$0x0], $0xffff;
	v0 =	vadd.s32 $0x2, v11  }
.LBB2_1:
0x47: {  	v10 =	vld [tilespmem:s10+$0xFFFFFC30];
	[tilespmem:s6+$0x0] =	vst v5  }
0x48: {  	s9 =	sadd.s32 $0x8, s9;
	v5 =	vld [tilespmem:s10+$0x30];
	[tilespmem:s6+$0x10] =	vst v6  }
0x49: {  	p0 =	slt.u32 s9, $0x38;
	v6 =	vld [tilespmem:s10+$0xFFFFFFC0];
	[tilespmem:s6+$0x20] =	vst v7  }
0x4a: {  	v7 =	vld [tilespmem:s10+$0x430];
	[tilespmem:s6+$0x3C0] =	vst v4  }
0x4b: {  	v4 =	vld [tilespmem:s10+$0xFFFFFBD0];
	[tilespmem:s6+$0x3D0] =	vst v8  }
0x4c: {  	v8 =	vld [tilespmem:s10+$0xFFFFFFD0];
	[tilespmem:s6+$0x3E0] =	vst v9  }
0x4d: {  	v10 =	vshll.u32 v10, $0x4;
	v9 =	vld [tilespmem:s10+$0xFFFFFBE0];
	v5 =	vshll.u32 v5, $0x2  }
0x4e: {  	v6 =	vshll.u32 v6, $0x2;
	v11 =	vld [tilespmem:s10+$0xFFFFFFE0];
	v5 =	vadd.s32 v10, v5  }
0x4f: {  	v10 =	vld [tilespmem:s10+$0xFFFFFBF0];
	v5 =	vadd.s32 v7, v5  }
0x50: {  	v4 =	vshll.u32 v4, $0x4;
	v7 =	vld [tilespmem:s10+$0xFFFFFFF0];
	v5 =	vmul.u32 $0x3, v5  }
0x51: {  	v8 =	vshll.u32 v8, $0x2;
	v12 =	vld [tilespmem:s10+$0xFFFFFC00]  }
0x52: {  	v4 =	vadd.s32 v4, v8;
	v8 =	vshll.u32 v9, $0x4;
	v9 =	vld [tilespmem:s10+$0x0]  }
0x53: {  	v11 =	vshll.u32 v11, $0x2;
	v13 =	vld [tilespmem:s10+$0xFFFFFC10]  }
0x54: {  	v8 =	vadd.s32 v8, v11;
	v10 =	vshll.u32 v10, $0x4;
	v11 =	vld [tilespmem:s10+$0x10]  }
0x55: {  	v7 =	vshll.u32 v7, $0x2;
	v14 =	vld [tilespmem:s10+$0xFFFFFC20]  }
0x56: {  	v7 =	vadd.s32 v10, v7;
	v10 =	vshll.u32 v12, $0x4;
	v12 =	vld.idx.msk [tilespmem:v5+s5+$0x0], $0xffff  }
0x57: {  	v9 =	vshll.u32 v9, $0x2;
	v15 =	vld [tilespmem:s10+$0x20]  }
0x58: {  	v16 =	vld [tilespmem:s10+$0xFFFFFBC0];
	v9 =	vadd.s32 v10, v9;
	v10 =	vshll.u32 v13, $0x4;
	v13 =	vadd.s32 $0x1, v5  }
0x59: {  	v17 =	vld [tilespmem:s10+$0x3C0];
	v11 =	vshll.u32 v11, $0x2  }
0x5a: {  	v18 =	vld [tilespmem:s10+$0x3D0];
	v10 =	vadd.s32 v10, v11;
	v11 =	vshll.u32 v14, $0x4  }
0x5b: {  	s6 =	sadd.s32 $0x80, s6;
	v14 =	vld [tilespmem:s10+$0x3E0]  }
0x5c: {  	v19 =	vld [tilespmem:s10+$0x3F0];
	v15 =	vshll.u32 v15, $0x2;
	[tilespmem:s6+$0xFFFFFC30] =	vst v12  }
0x5d: {  	v12 =	vshll.u32 v16, $0x4;
	v11 =	vadd.s32 v11, v15;
	v13 =	vld.idx.msk [tilespmem:v13+s5+$0x0], $0xffff  }
0x5e: {  	v6 =	vadd.s32 v12, v6;
	v12 =	vld [tilespmem:s10+$0x400]  }
0x5f: {  	v5 =	vadd.s32 $0x2, v5;
	v6 =	vadd.s32 v17, v6;
	v4 =	vadd.s32 v18, v4;
	v15 =	vld [tilespmem:s10+$0x410]  }
0x60: {  	v6 =	vmul.u32 $0x3, v6;
	v4 =	vmul.u32 $0x3, v4;
	v8 =	vadd.s32 v14, v8;
	v14 =	vld [tilespmem:s10+$0x420]  }
0x61: {  	v8 =	vmul.u32 $0x3, v8;
	v7 =	vadd.s32 v19, v7;
	v16 =	vld.idx.msk [tilespmem:v3+s5+$0x0], $0xffff  }
0x62: {  	v17 =	vadd.s32 $0x1, v6;
	v18 =	vadd.s32 $0x1, v4;
	v7 =	vmul.u32 $0x3, v7;
	v19 =	vld.idx.msk [tilespmem:v2+s5+$0x0], $0xffff  }
0x63: {  	v20 =	vadd.s32 $0x2, v6;
	v21 =	vadd.s32 $0x1, v8;
	v2 =	vadd.s32 v12, v9;
	[tilespmem:s6+$0x30] =	vst v13;
	v9 =	vld.idx.msk [tilespmem:v1+s5+$0x0], $0xffff  }
0x64: {  	v12 =	vadd.s32 $0x1, v7;
	v13 =	vmul.u32 $0x3, v2;
	v1 =	vadd.s32 v15, v10;
	v5 =	vld.idx.msk [tilespmem:v5+s5+$0x0], $0xffff  }
0x65: {  	v10 =	vadd.s32 $0x2, v4;
	v15 =	vmul.u32 $0x3, v1;
	v1 =	vadd.s32 v14, v11;
	v11 =	vld.idx.msk [tilespmem:v0+s5+$0x0], $0xffff  }
0x66: {  	v14 =	vadd.s32 $0x2, v8;
	v6 =	vld.idx.msk [tilespmem:v6+s5+$0x0], $0xffff;
	v22 =	vadd.s32 $0x1, v13;
	v23 =	vmul.u32 $0x3, v1  }
0x67: {  	v3 =	vadd.s32 $0x2, v7;
	v2 =	vadd.s32 $0x2, v13;
	v4 =	vld.idx.msk [tilespmem:v4+s5+$0x0], $0xffff;
	v24 =	vadd.s32 $0x1, v15;
	[tilespmem:s8+$0x3F0] =	vst v16  }
0x68: {  	v1 =	vadd.s32 $0x2, v15;
	v8 =	vld.idx.msk [tilespmem:v8+s5+$0x0], $0xffff;
	v16 =	vadd.s32 $0x1, v23;
	v0 =	vadd.s32 $0x2, v23;
	[tilespmem:s8+$0x400] =	vst v19  }
0x69: {  	v7 =	vld.idx.msk [tilespmem:v7+s5+$0x0], $0xffff;
	[tilespmem:s8+$0x410] =	vst v9  }
0x6a: {  	v9 =	vld.idx.msk [tilespmem:v13+s5+$0x0], $0xffff;
	[tilespmem:s6+$0x430] =	vst v5  }
0x6b: {  	v13 =	vld.idx.msk [tilespmem:v15+s5+$0x0], $0xffff;
	[tilespmem:s8+$0x420] =	vst v11;
	s8 =	smov.u32 s6  }
0x6c: {  	[tilespmem:s6+$0xFFFFFBC0] =	vst v6;
	v11 =	vld.idx.msk [tilespmem:v23+s5+$0x0], $0xffff  }
0x6d: {  	v15 =	vld.idx.msk [tilespmem:v17+s5+$0x0], $0xffff;
	[tilespmem:s6+$0xFFFFFBD0] =	vst v4  }
0x6e: {  	v17 =	vld.idx.msk [tilespmem:v18+s5+$0x0], $0xffff;
	[tilespmem:s6+$0xFFFFFBE0] =	vst v8  }
0x6f: {  	v18 =	vld.idx.msk [tilespmem:v21+s5+$0x0], $0xffff;
	[tilespmem:s6+$0xFFFFFBF0] =	vst v7  }
0x70: {  	v12 =	vld.idx.msk [tilespmem:v12+s5+$0x0], $0xffff;
	[tilespmem:s6+$0xFFFFFC00] =	vst v9  }
0x71: {  	v5 =	vld.idx.msk [tilespmem:v22+s5+$0x0], $0xffff;
	[tilespmem:s6+$0xFFFFFC10] =	vst v13  }
.Ltmp0:
0x72: {  	v6 =	vld.idx.msk [tilespmem:v24+s5+$0x0], $0xffff;
	[tilespmem:s6+$0xFFFFFC20] =	vst v11;
	(pc) =	sbr.rel @p0 .LBB2_1-.Ltmp0, $4  }
0x73: {  	[tilespmem:s6+$0xFFFFFFC0] =	vst v15;
	v7 =	vld.idx.msk [tilespmem:v16+s5+$0x0], $0xffff  }
0x74: {  	v4 =	vld.idx.msk [tilespmem:v20+s5+$0x0], $0xffff;
	[tilespmem:s6+$0xFFFFFFD0] =	vst v17  }
0x75: {  	v8 =	vld.idx.msk [tilespmem:v10+s5+$0x0], $0xffff;
	[tilespmem:s6+$0xFFFFFFE0] =	vst v18  }
0x76: {  	s10 =	sadd.s32 $0x80, s10;
	v9 =	vld.idx.msk [tilespmem:v14+s5+$0x0], $0xffff;
	[tilespmem:s6+$0xFFFFFFF0] =	vst v12  }
0x77: {  	_ =	sdelay $0x2  }
0x78: {  	[tilespmem:s6+$0x0] =	vst v5  }
0x79: {  	[tilespmem:s6+$0x10] =	vst v6;
	v3 =	vld.idx.msk [tilespmem:v3+s5+$0x0], $0xffff  }
0x7a: {  	[tilespmem:s6+$0x20] =	vst v7;
	v2 =	vld.idx.msk [tilespmem:v2+s5+$0x0], $0xffff  }
0x7b: {  	v1 =	vld.idx.msk [tilespmem:v1+s5+$0x0], $0xffff;
	[tilespmem:s6+$0x3C0] =	vst v4  }
0x7c: {  	v0 =	vld.idx.msk [tilespmem:v0+s5+$0x0], $0xffff;
	[tilespmem:s6+$0x3D0] =	vst v8  }
0x7d: {  	[tilespmem:s6+$0x3E0] =	vst v9  }
0x7e: {  	[tilespmem:s8+$0x3F0] =	vst v3  }
0x7f: {  	[tilespmem:s8+$0x400] =	vst v2  }
0x80: {  	s4 =	sadd.s32 s7, s4;
	[tilespmem:s8+$0x410] =	vst v1  }
0x81: {  	s26 =	simm.s32 $0x0;
	s28 =	simm.s32 $0xD00;
	s29 =	simm.s32 $0x2;
	[tilespmem:s8+$0x420] =	vst v0  }
0x82: {  	[hbm4b:s4+s26] =	stream.linear.scatter [tilespmem:s28], [sflag:$0x2], $0x400, $0x38;
	[tilespmem:$0x1900] =	vst v63  }
0x83: {  	_ =	swait.ge [sflag:s29], $0x400  }
0x84: {  	[sflag:s29] =	ssyncset.done $0x0  }
0x85: {  	s3 =	sadd.s32 s7, s3;
	s30 =	simm.s32 $0x1100;
	[sflag:s29] =	ssyncadd.s32 $0xFFFFFC00  }
0x86: {  	[hbm4b:s3+s26] =	stream.linear.scatter [tilespmem:s30], [sflag:$0x2], $0x400, $0x38;
	[tilespmem:$0x1900] =	vst v63  }
0x87: {  	_ =	swait.ge [sflag:s29], $0x400  }
0x88: {  	[sflag:s29] =	ssyncset.done $0x0  }
0x89: {  	s2 =	sadd.s32 s7, s2;
	s31 =	simm.s32 $0x1500;
	[sflag:s29] =	ssyncadd.s32 $0xFFFFFC00  }
0x8a: {  	[hbm4b:s2+s26] =	stream.linear.scatter [tilespmem:s31], [sflag:$0x2], $0x400, $0x38;
	[tilespmem:$0x1900] =	vst v63  }
0x8b: {  	_ =	swait.ge [sflag:s29], $0x400  }
0x8c: {  	[sflag:s29] =	ssyncset.done $0x0  }
0x8d: {  	[sflag:s29] =	ssyncadd.s32 $0xFFFFFC00  }
0x8e: {  	_ =	sfence.sel $0x180000  }
0x8f: {  	[bflag:$0x0] =	sbarrier.arrive $0xFFFF  }
0x90: {  	p0 =	sne.s32 s1, $0x0;
	_ =	strace $0x90000047  }
0x91: {  	s0 =	sadd.s32 @!p0 $0x100000, s0;
	[bflag:$0x2] =	sbarrier.arrive $0xFFFF  }
0x92: {  	[sflag:s0] =	ssyncadd.tile.s32 @!p0 $0x1;
	_ =	shalt  }
.Lfunc_end2:
_tile_overlayer_lowered:
.L_overlay_start_2:
0x93: {  	(tag) =	ssettag $0x2  }
0x94: {  	s0 =	rddreg [dreg:$0x0];
	s2 =	stileid.u32  }
0x95: {  	s1 =	rddreg [dreg:$0x1];
	p0 =	sne.s32 s2, $0x0  }
0x96: {  	s3 =	rddreg [dreg:$0x2];
	[bflag:$0x3] =	sbarrier.arrive $0xFFFF;
	s2 =	simm.s32 @!p0 $0x1C02  }
0x97: {  	[timem:s3], [sflag:s2] =	dma.local @!p0 [hbm:s0], s1  }
0x98: {  	s0 =	simm.s32 @!p0 $0x2  }
0x99: {  	_ =	swait.ge @!p0 [sflag:s0], s1  }
0x9a: {  	s1 =	ssub.s32 @!p0 $0x0, s1;
	[sflag:s0] =	ssyncset.done @!p0 $0x0  }
0x9b: {  	[sflag:s0] =	ssyncadd.s32 @!p0 s1  }
0x9c: {  	[bflag:$0x3] =	sbarrier.arrive $0xFFFF  }
0x9d: {  	_ =	shalt  }

</sc_bundles>
